<compile_context>
chip_gen: v7x
topology: tpu7x:2x2x1
jax: 0.10.2.dev20260603
libtpu: 0.0.44.dev20260713+nightly
codegen_flags: <defaults>
</compile_context>

<pallas_src>
import functools

import jax
import jax.numpy as jnp
from jax import lax
from jax.experimental import pallas as pl
from jax.experimental.pallas import tpu as pltpu
from jax.experimental.pallas import tpu_sc as plsc

B, N, D = 1024, 1000, 128


@functools.lru_cache(maxsize=None)
def _build_gather():
    info = plsc.get_sparse_core_info()
    nc = 1
    nw = nc * info.num_subcores
    bpw = B // nw
    mesh = plsc.VectorSubcoreMesh(core_axis_name="c", subcore_axis_name="s",
                                  num_cores=nc)

    @functools.partial(
        pl.kernel,
        mesh=mesh,
        out_type=jax.ShapeDtypeStruct((B, D), jnp.float32),
        scratch_types=[
            pltpu.VMEM((bpw,), jnp.int32),
            pltpu.VMEM((bpw,), jnp.int32),
            pltpu.VMEM((bpw, D), jnp.float32),
            pltpu.SemaphoreType.DMA,
        ],
    )
    def gather_rows(cn_hbm, table_hbm, out_hbm, cn_v, idx_v, rows_v, sem):
        wid = lax.axis_index("s") * nc + lax.axis_index("c")
        base = wid * bpw
        pltpu.sync_copy(cn_hbm.at[pl.ds(base, bpw)], cn_v)
        for k in range(bpw // 16):
            b0 = lax.iota(jnp.int32, 16) + (base + k * 16)
            idx_v[pl.ds(k * 16, 16)] = b0 * N + cn_v[pl.ds(k * 16, 16)]
        pltpu.async_copy(table_hbm.at[idx_v], rows_v, sem).wait()
        pltpu.sync_copy(rows_v, out_hbm.at[pl.ds(base, bpw)])

    return gather_rows


def _depot_part(e_hbm, t_ref, w_ref, o_ref, d_vmem, sem):
    cp = pltpu.make_async_copy(e_hbm.at[:, pl.ds(1, 1), :], d_vmem, sem)
    cp.start()
    dn = (((1,), (1,)), ((), ()))
    acc = lax.dot_general(t_ref[...], w_ref[:, 2 * D:], dn,
                          preferred_element_type=jnp.float32)
    cp.wait()
    acc = acc + lax.dot_general(d_vmem[:, 0, :], w_ref[:, :D], dn,
                                preferred_element_type=jnp.float32)
    o_ref[...] = acc


def _cur_part(c_ref, w_ref, a_ref, o_ref):
    dn = (((1,), (1,)), ((), ()))
    o_ref[...] = a_ref[...] + lax.dot_general(
        c_ref[...], w_ref[:, D:2 * D], dn, preferred_element_type=jnp.float32)


def kernel(embeddings, current_node, tour_time, W):
    table = embeddings.reshape(B * N, D)
    cur = _build_gather()(current_node, table)
    t = tour_time.reshape(B, 1)
    acc0 = pl.pallas_call(
        _depot_part,
        out_shape=jax.ShapeDtypeStruct((B, D), jnp.float32),
        in_specs=[
            pl.BlockSpec(memory_space=pl.ANY),
            pl.BlockSpec((B, 1), lambda: (0, 0)),
            pl.BlockSpec(W.shape, lambda: (0, 0)),
        ],
        scratch_shapes=[
            pltpu.VMEM((B, 1, D), jnp.float32),
            pltpu.SemaphoreType.DMA,
        ],
    )(embeddings, t, W)
    return pl.pallas_call(
        _cur_part,
        out_shape=jax.ShapeDtypeStruct((B, D), jnp.float32),
        input_output_aliases={2: 0},
    )(cur, W, acc0)

# --- scband reference (transcript-rebuilt; emitter-appended) ---
"""Pipeline reference for scband-pg-context-65498251264665 (READ-ONLY COPY).

The authoritative reference and input builder live on the scoring server;
editing this copy changes nothing except your own understanding.
"""

import jax, jax.numpy as jnp
import numpy as np

B, N, D = 1024, 1000, 128

def gather_by_index(embeddings, idx):
    # embeddings: [B, N, D], idx: [B] -> [B, D]
    out = jnp.take_along_axis(embeddings, idx[:, None, None], axis=1)
    return out[:, 0, :]

def setup_inputs(seed: int = 0) -> dict:
    key = jax.random.key(seed)
    k1, k2, k3, k4 = jax.random.split(key, 4)
    embeddings = jax.random.normal(k1, (B, N, D), dtype=jnp.float32)
    current_node = jax.random.randint(k2, (B,), 0, N).astype(jnp.int32)
    tour_time = jax.random.uniform(k3, (B,), dtype=jnp.float32)
    # project_context: nn.Linear(2*D+1, D, bias=False) -> weight [D, 2*D+1]
    W = jax.random.normal(k4, (D, 2 * D + 1), dtype=jnp.float32) * 0.02
    return {"embeddings": embeddings, "current_node": current_node, "tour_time": tour_time, "W": W}

def reference(embeddings, current_node, tour_time, W):
    batch = embeddings.shape[0]
    # depot index is hard-coded to ones in the original module
    depot_idx = jnp.ones((batch,), dtype=jnp.int32)
    depot_embedding = gather_by_index(embeddings, depot_idx)
    cur_node_embedding = gather_by_index(embeddings, current_node)
    tourtime_embedding = tour_time
    context_embedding = jnp.concatenate(
        [depot_embedding, cur_node_embedding, tourtime_embedding[..., None]], axis=-1
    )
    return context_embedding @ W.T

if __name__ == "__main__":
    import jax
    _d = setup_inputs()
    print(jax.jit(kernel)(*tuple(_d.values())))

</pallas_src>

<mosaic_0001>
#map = affine_map<(d0, d1) -> (0)>
#map1 = affine_map<(d0, d1) -> (0, 0)>
module attributes {stable_mosaic.version = 14 : i64} {
  func.func @gather_rows(%arg0: i32, %arg1: i32, %arg2: memref<1024xi32, #tpu.memory_space<hbm>>, %arg3: memref<1024000x128xf32, #tpu.memory_space<hbm>>, %arg4: memref<1024x128xf32, #tpu.memory_space<hbm>>, %arg5: memref<64xi32, #tpu.memory_space<vmem>>, %arg6: memref<64xi32, #tpu.memory_space<vmem>>, %arg7: memref<64x128xf32, #tpu.memory_space<vmem>>, %arg8: memref<!tpu.dma_semaphore, #tpu.memory_space<semaphore_mem>>) attributes {dimension_semantics = [#tpu.dimension_semantics<core_parallel>, #tpu.dimension_semantics<subcore_parallel>], iteration_bounds = array<i64: 1, 16>, scalar_prefetch = 0 : i64, scratch_operands = 4 : i64, tpu.core_type = #tpu.core_type<sc_vector_subcore>, window_params = [{transform_indices = #map}, {transform_indices = #map1}, {transform_indices = #map1}]} {
    %mul3A = arith.constant 1 : i32
    %mul3A_0 = arith.muli %arg1, %mul3A : i32
    %add3A = arith.addi %mul3A_0, %arg0 : i32
    %mul3A_1 = arith.constant 64 : i32
    %mul3A_2 = arith.muli %add3A, %mul3A_1 : i32
    "tpu.region"() ({
      %run_scoped3A = tpu.sem_alloc : memref<!tpu.dma_semaphore, #tpu.memory_space<semaphore_mem>>
      %dma_start3A_68 = tpu.memref_slice %arg2[%mul3A_2] : memref<1024xi32, #tpu.memory_space<hbm>> -> memref<64xi32, #tpu.memory_space<hbm>>
      %dma_start3A_69 = tpu.memref_slice %arg2[%mul3A_2] : memref<1024xi32, #tpu.memory_space<hbm>> -> memref<64xi32, #tpu.memory_space<hbm>>
      tpu.enqueue_dma source(%dma_start3A_69 : memref<64xi32, #tpu.memory_space<hbm>>) target(%arg5 : memref<64xi32, #tpu.memory_space<vmem>>) target_semaphore(%run_scoped3A : memref<!tpu.dma_semaphore, #tpu.memory_space<semaphore_mem>>)
      %dma_wait3A_70 = tpu.memref_slice %arg2[%mul3A_2] : memref<1024xi32, #tpu.memory_space<hbm>> -> memref<64xi32, #tpu.memory_space<hbm>>
      %dma_wait3A_71 = tpu.memref_slice %arg2[%mul3A_2] : memref<1024xi32, #tpu.memory_space<hbm>> -> memref<64xi32, #tpu.memory_space<hbm>>
      tpu.wait_dma2 semaphore(%run_scoped3A : memref<!tpu.dma_semaphore, #tpu.memory_space<semaphore_mem>>) src(%dma_wait3A_71 : memref<64xi32, #tpu.memory_space<hbm>>) dst(%arg5 : memref<64xi32, #tpu.memory_space<vmem>>)
      tpu.yield
    }) : () -> ()
    %iota3A = tpu.iota {dimensions = array<i32: 0>} : vector<16xi32>
    %add3A_3 = arith.constant 0 : i32
    %add3A_4 = arith.addi %mul3A_2, %add3A_3 : i32
    %add3A_5 = vector.broadcast %add3A_4 : i32 to vector<16xi32>
    %add3A_6 = arith.addi %iota3A, %add3A_5 : vector<16xi32>
    %mul3A_7 = arith.constant 1000 : i32
    %mul3A_8 = vector.broadcast %mul3A_7 : i32 to vector<16xi32>
    %mul3A_9 = arith.muli %add3A_6, %mul3A_8 : vector<16xi32>
    %get3A = arith.constant 0 : index
    %get3A_10 = tpu.vector_load %arg5[%get3A] {strides = array<i32>} : memref<64xi32, #tpu.memory_space<vmem>>, vector<16xi32>,
    %get3A_11 = vector.shape_cast %get3A_10 : vector<16xi32> to vector<16xi32>
    %add3A_12 = arith.addi %mul3A_9, %get3A_11 : vector<16xi32>
    %swap3A = arith.constant 0 : index
    %swap3A_13 = tpu.vector_load %arg6[%swap3A] {strides = array<i32>} : memref<64xi32, #tpu.memory_space<vmem>>, vector<16xi32>,
    %swap3A_14 = vector.shape_cast %swap3A_13 : vector<16xi32> to vector<16xi32>
    %swap3A_15 = vector.shape_cast %add3A_12 : vector<16xi32> to vector<16xi32>
    tpu.vector_store %arg6[%swap3A], %swap3A_15 {strides = array<i32>} : memref<64xi32, #tpu.memory_space<vmem>>, vector<16xi32>,
    %iota3A_16 = tpu.iota {dimensions = array<i32: 0>} : vector<16xi32>
    %add3A_17 = arith.constant 16 : i32
    %add3A_18 = arith.addi %mul3A_2, %add3A_17 : i32
    %add3A_19 = vector.broadcast %add3A_18 : i32 to vector<16xi32>
    %add3A_20 = arith.addi %iota3A_16, %add3A_19 : vector<16xi32>
    %mul3A_21 = arith.constant 1000 : i32
    %mul3A_22 = vector.broadcast %mul3A_21 : i32 to vector<16xi32>
    %mul3A_23 = arith.muli %add3A_20, %mul3A_22 : vector<16xi32>
    %get3A_24 = arith.constant 16 : index
    %get3A_25 = tpu.vector_load %arg5[%get3A_24] {strides = array<i32>} : memref<64xi32, #tpu.memory_space<vmem>>, vector<16xi32>,
    %get3A_26 = vector.shape_cast %get3A_25 : vector<16xi32> to vector<16xi32>
    %add3A_27 = arith.addi %mul3A_23, %get3A_26 : vector<16xi32>
    %swap3A_28 = arith.constant 16 : index
    %swap3A_29 = tpu.vector_load %arg6[%swap3A_28] {strides = array<i32>} : memref<64xi32, #tpu.memory_space<vmem>>, vector<16xi32>,
    %swap3A_30 = vector.shape_cast %swap3A_29 : vector<16xi32> to vector<16xi32>
    %swap3A_31 = vector.shape_cast %add3A_27 : vector<16xi32> to vector<16xi32>
    tpu.vector_store %arg6[%swap3A_28], %swap3A_31 {strides = array<i32>} : memref<64xi32, #tpu.memory_space<vmem>>, vector<16xi32>,
    %iota3A_32 = tpu.iota {dimensions = array<i32: 0>} : vector<16xi32>
    %add3A_33 = arith.constant 32 : i32
    %add3A_34 = arith.addi %mul3A_2, %add3A_33 : i32
    %add3A_35 = vector.broadcast %add3A_34 : i32 to vector<16xi32>
    %add3A_36 = arith.addi %iota3A_32, %add3A_35 : vector<16xi32>
    %mul3A_37 = arith.constant 1000 : i32
    %mul3A_38 = vector.broadcast %mul3A_37 : i32 to vector<16xi32>
    %mul3A_39 = arith.muli %add3A_36, %mul3A_38 : vector<16xi32>
    %get3A_40 = arith.constant 32 : index
    %get3A_41 = tpu.vector_load %arg5[%get3A_40] {strides = array<i32>} : memref<64xi32, #tpu.memory_space<vmem>>, vector<16xi32>,
    %get3A_42 = vector.shape_cast %get3A_41 : vector<16xi32> to vector<16xi32>
    %add3A_43 = arith.addi %mul3A_39, %get3A_42 : vector<16xi32>
    %swap3A_44 = arith.constant 32 : index
    %swap3A_45 = tpu.vector_load %arg6[%swap3A_44] {strides = array<i32>} : memref<64xi32, #tpu.memory_space<vmem>>, vector<16xi32>,
    %swap3A_46 = vector.shape_cast %swap3A_45 : vector<16xi32> to vector<16xi32>
    %swap3A_47 = vector.shape_cast %add3A_43 : vector<16xi32> to vector<16xi32>
    tpu.vector_store %arg6[%swap3A_44], %swap3A_47 {strides = array<i32>} : memref<64xi32, #tpu.memory_space<vmem>>, vector<16xi32>,
    %iota3A_48 = tpu.iota {dimensions = array<i32: 0>} : vector<16xi32>
    %add3A_49 = arith.constant 48 : i32
    %add3A_50 = arith.addi %mul3A_2, %add3A_49 : i32
    %add3A_51 = vector.broadcast %add3A_50 : i32 to vector<16xi32>
    %add3A_52 = arith.addi %iota3A_48, %add3A_51 : vector<16xi32>
    %mul3A_53 = arith.constant 1000 : i32
    %mul3A_54 = vector.broadcast %mul3A_53 : i32 to vector<16xi32>
    %mul3A_55 = arith.muli %add3A_52, %mul3A_54 : vector<16xi32>
    %get3A_56 = arith.constant 48 : index
    %get3A_57 = tpu.vector_load %arg5[%get3A_56] {strides = array<i32>} : memref<64xi32, #tpu.memory_space<vmem>>, vector<16xi32>,
    %get3A_58 = vector.shape_cast %get3A_57 : vector<16xi32> to vector<16xi32>
    %add3A_59 = arith.addi %mul3A_55, %get3A_58 : vector<16xi32>
    %swap3A_60 = arith.constant 48 : index
    %swap3A_61 = tpu.vector_load %arg6[%swap3A_60] {strides = array<i32>} : memref<64xi32, #tpu.memory_space<vmem>>, vector<16xi32>,
    %swap3A_62 = vector.shape_cast %swap3A_61 : vector<16xi32> to vector<16xi32>
    %swap3A_63 = vector.shape_cast %add3A_59 : vector<16xi32> to vector<16xi32>
    tpu.vector_store %arg6[%swap3A_60], %swap3A_63 {strides = array<i32>} : memref<64xi32, #tpu.memory_space<vmem>>, vector<16xi32>,
    %dma_start3A = arith.constant 0 : i32
    %dma_start3A_64 = arith.constant 0 : i32
    %dma_start3A_65 = tpu.memref_slice %arg3[%dma_start3A, %dma_start3A_64] : memref<1024000x128xf32, #tpu.memory_space<hbm>> -> memref<1024000x128xf32, #tpu.memory_space<hbm>>
    tpu.enqueue_indirect_dma source(%dma_start3A_65 : memref<1024000x128xf32, #tpu.memory_space<hbm>>) target(%arg7 : memref<64x128xf32, #tpu.memory_space<vmem>>) offsets(%arg6 : memref<64xi32, #tpu.memory_space<vmem>>) semaphore(%arg8 : memref<!tpu.dma_semaphore, #tpu.memory_space<semaphore_mem>>)
    %dma_wait3A = arith.constant 0 : i32
    %dma_wait3A_66 = arith.constant 0 : i32
    %dma_wait3A_67 = tpu.memref_slice %arg3[%dma_wait3A, %dma_wait3A_66] : memref<1024000x128xf32, #tpu.memory_space<hbm>> -> memref<1024000x128xf32, #tpu.memory_space<hbm>>
    tpu.wait_indirect_dma semaphore(%arg8 : memref<!tpu.dma_semaphore, #tpu.memory_space<semaphore_mem>>) src(%dma_wait3A_67 : memref<1024000x128xf32, #tpu.memory_space<hbm>>) dst(%arg7 : memref<64x128xf32, #tpu.memory_space<vmem>>)
    "tpu.region"() ({
      %run_scoped3A = tpu.sem_alloc : memref<!tpu.dma_semaphore, #tpu.memory_space<semaphore_mem>>
      %dma_start3A_68 = arith.constant 0 : i32
      %dma_start3A_69 = tpu.memref_slice %arg4[%mul3A_2, %dma_start3A_68] : memref<1024x128xf32, #tpu.memory_space<hbm>> -> memref<64x128xf32, #tpu.memory_space<hbm>>
      %dma_start3A_70 = arith.constant 0 : i32
      %dma_start3A_71 = tpu.memref_slice %arg4[%mul3A_2, %dma_start3A_70] : memref<1024x128xf32, #tpu.memory_space<hbm>> -> memref<64x128xf32, #tpu.memory_space<hbm>>
      tpu.enqueue_dma source(%arg7 : memref<64x128xf32, #tpu.memory_space<vmem>>) target(%dma_start3A_71 : memref<64x128xf32, #tpu.memory_space<hbm>>) target_semaphore(%run_scoped3A : memref<!tpu.dma_semaphore, #tpu.memory_space<semaphore_mem>>)
      %dma_wait3A_72 = arith.constant 0 : i32
      %dma_wait3A_73 = tpu.memref_slice %arg4[%mul3A_2, %dma_wait3A_72] : memref<1024x128xf32, #tpu.memory_space<hbm>> -> memref<64x128xf32, #tpu.memory_space<hbm>>
      %dma_wait3A_74 = arith.constant 0 : i32
      %dma_wait3A_75 = tpu.memref_slice %arg4[%mul3A_2, %dma_wait3A_74] : memref<1024x128xf32, #tpu.memory_space<hbm>> -> memref<64x128xf32, #tpu.memory_space<hbm>>
      tpu.wait_dma2 semaphore(%run_scoped3A : memref<!tpu.dma_semaphore, #tpu.memory_space<semaphore_mem>>) src(%arg7 : memref<64x128xf32, #tpu.memory_space<vmem>>) dst(%dma_wait3A_75 : memref<64x128xf32, #tpu.memory_space<hbm>>)
      tpu.yield
    }) : () -> ()
    return
  }
}

module attributes {stable_mosaic.version = 14 : i64} {
  func.func @_cur_part(%arg0: memref<1024x128xf32, #tpu.memory_space<vmem>>, %arg1: memref<128x257xf32, #tpu.memory_space<vmem>>, %arg2: memref<1024x128xf32, #tpu.memory_space<vmem>>, %arg3: memref<1024x128xf32, #tpu.memory_space<vmem>>) attributes {dimension_semantics = [], scalar_prefetch = 0 : i64, scratch_operands = 0 : i64, tpu.core_type = #tpu.core_type<tc>} {
    %get3A = arith.constant 0 : index
    %get3A_0 = arith.constant 0 : index
    %get3A_1 = vector.load %arg2[%get3A, %get3A_0] : memref<1024x128xf32, #tpu.memory_space<vmem>>, vector<1024x128xf32>
    %get3A_2 = arith.constant 0 : index
    %get3A_3 = arith.constant 0 : index
    %get3A_4 = vector.load %arg0[%get3A_2, %get3A_3] : memref<1024x128xf32, #tpu.memory_space<vmem>>, vector<1024x128xf32>
    %get3A_5 = arith.constant 0 : index
    %get3A_6 = arith.constant 128 : index
    %get3A_7 = vector.load %arg1[%get3A_5, %get3A_6] : memref<128x257xf32, #tpu.memory_space<vmem>>, vector<128x128xf32>
    %dot_general3A = arith.constant dense<0.000000e+00> : vector<1024x128xf32>
    %dot_general3A_8 = tpu.matmul %get3A_4, %get3A_7, %dot_general3A {dimension_numbers = #tpu.dot_dimension_numbers<[1], [1], [0], [0], [0, 0, 1, 0], [], []>, transpose_lhs_hint = false} : vector<1024x128xf32>, vector<128x128xf32>, vector<1024x128xf32> -> vector<1024x128xf32>
    %add3A = arith.addf %get3A_1, %dot_general3A_8 : vector<1024x128xf32>
    %swap3A = arith.constant 0 : index
    %swap3A_9 = arith.constant 0 : index
    %swap3A_10 = vector.load %arg3[%swap3A, %swap3A_9] : memref<1024x128xf32, #tpu.memory_space<vmem>>, vector<1024x128xf32>
    tpu.vector_store %arg3[%swap3A, %swap3A_9], %add3A {strides = array<i32>} : memref<1024x128xf32, #tpu.memory_space<vmem>>, vector<1024x128xf32>,
    return
  }
}

module attributes {stable_mosaic.version = 14 : i64} {
  func.func @_depot_part(%arg0: memref<1024x1000x128xf32, #tpu.memory_space<any>>, %arg1: memref<1024x1xf32, #tpu.memory_space<vmem>>, %arg2: memref<128x257xf32, #tpu.memory_space<vmem>>, %arg3: memref<1024x128xf32, #tpu.memory_space<vmem>>, %arg4: memref<1024x1x128xf32, #tpu.memory_space<vmem>>, %arg5: memref<!tpu.dma_semaphore, #tpu.memory_space<semaphore_mem>>) attributes {dimension_semantics = [], scalar_prefetch = 0 : i64, scratch_operands = 2 : i64, tpu.core_type = #tpu.core_type<tc>} {
    %dma_start3A = arith.constant 0 : i32
    %dma_start3A_0 = arith.constant 1 : i32
    %dma_start3A_1 = arith.constant 0 : i32
    %dma_start3A_2 = tpu.memref_slice %arg0[%dma_start3A, %dma_start3A_0, %dma_start3A_1] : memref<1024x1000x128xf32, #tpu.memory_space<any>> -> memref<1024x1x128xf32, #tpu.memory_space<any>>
    tpu.enqueue_dma source(%dma_start3A_2 : memref<1024x1x128xf32, #tpu.memory_space<any>>) target(%arg4 : memref<1024x1x128xf32, #tpu.memory_space<vmem>>) target_semaphore(%arg5 : memref<!tpu.dma_semaphore, #tpu.memory_space<semaphore_mem>>)
    %get3A = arith.constant 0 : index
    %get3A_3 = arith.constant 0 : index
    %get3A_4 = vector.load %arg1[%get3A, %get3A_3] : memref<1024x1xf32, #tpu.memory_space<vmem>>, vector<1024x1xf32>
    %get3A_5 = arith.constant 0 : index
    %get3A_6 = arith.constant 256 : index
    %get3A_7 = vector.load %arg2[%get3A_5, %get3A_6] : memref<128x257xf32, #tpu.memory_space<vmem>>, vector<128x1xf32>
    %dot_general3A = arith.constant dense<0.000000e+00> : vector<1024x128xf32>
    %dot_general3A_8 = tpu.matmul %get3A_4, %get3A_7, %dot_general3A {dimension_numbers = #tpu.dot_dimension_numbers<[1], [1], [0], [0], [0, 0, 1, 0], [], []>, transpose_lhs_hint = false} : vector<1024x1xf32>, vector<128x1xf32>, vector<1024x128xf32> -> vector<1024x128xf32>
    %dma_wait3A = arith.constant 0 : i32
    %dma_wait3A_9 = arith.constant 1 : i32
    %dma_wait3A_10 = arith.constant 0 : i32
    %dma_wait3A_11 = tpu.memref_slice %arg0[%dma_wait3A, %dma_wait3A_9, %dma_wait3A_10] : memref<1024x1000x128xf32, #tpu.memory_space<any>> -> memref<1024x1x128xf32, #tpu.memory_space<any>>
    tpu.wait_dma2 semaphore(%arg5 : memref<!tpu.dma_semaphore, #tpu.memory_space<semaphore_mem>>) src(%dma_wait3A_11 : memref<1024x1x128xf32, #tpu.memory_space<any>>) dst(%arg4 : memref<1024x1x128xf32, #tpu.memory_space<vmem>>)
    %get3A_12 = arith.constant 0 : index
    %get3A_13 = arith.constant 0 : index
    %get3A_14 = arith.constant 0 : index
    %get3A_15 = vector.load %arg4[%get3A_12, %get3A_13, %get3A_14] : memref<1024x1x128xf32, #tpu.memory_space<vmem>>, vector<1024x1x128xf32>
    %get3A_16 = vector.shape_cast %get3A_15 : vector<1024x1x128xf32> to vector<1024x128xf32>
    %get3A_17 = arith.constant 0 : index
    %get3A_18 = arith.constant 0 : index
    %get3A_19 = vector.load %arg2[%get3A_17, %get3A_18] : memref<128x257xf32, #tpu.memory_space<vmem>>, vector<128x128xf32>
    %dot_general3A_20 = arith.constant dense<0.000000e+00> : vector<1024x128xf32>
    %dot_general3A_21 = tpu.matmul %get3A_16, %get3A_19, %dot_general3A_20 {dimension_numbers = #tpu.dot_dimension_numbers<[1], [1], [0], [0], [0, 0, 1, 0], [], []>, transpose_lhs_hint = false} : vector<1024x128xf32>, vector<128x128xf32>, vector<1024x128xf32> -> vector<1024x128xf32>
    %add3A = arith.addf %dot_general3A_8, %dot_general3A_21 : vector<1024x128xf32>
    %swap3A = arith.constant 0 : index
    %swap3A_22 = arith.constant 0 : index
    %swap3A_23 = vector.load %arg3[%swap3A, %swap3A_22] : memref<1024x128xf32, #tpu.memory_space<vmem>>, vector<1024x128xf32>
    tpu.vector_store %arg3[%swap3A, %swap3A_22], %add3A {strides = array<i32>} : memref<1024x128xf32, #tpu.memory_space<vmem>>, vector<1024x128xf32>,
    return
  }
}

</mosaic_0001>

<sc_bundles>
// kernel: kernel.5.cloned.1.call-start
scs
__scs_entry_jumppad:
0x0: {  	(pc) =	sbr.rel $0x88, $3  }
0x1: {  	(tag) =	ssettag $0x0;
	lr =	simm.s32 $0x1  }
0x2: {  	[smem:$0x3F9D] =	sst lr;
	_ =	strace $0xD0000000  }
0x3: {  	_ = 	snop  }
0x4: {  	_ = 	snop  }
0x5: {  	_ = 	snop  }
0x6: {  	_ = 	snop  }
0x7: {  	_ = 	snop  }
__scs_overlays_trampoline_lowered:
0x8: {  	[smem:$0x3FAC] =	sst s0  }
0x9: {  	[smem:$0x3FAD] =	sst s1  }
0xa: {  	[smem:$0x3FAE] =	sst s2  }
0xb: {  	[smem:$0x3FAF] =	sst s3  }
0xc: {  	[smem:$0x3FB0] =	sst s4  }
0xd: {  	[smem:$0x3FB1] =	sst s5  }
0xe: {  	[smem:$0x3FB2] =	sst s6  }
0xf: {  	[smem:$0x3FB3] =	sst s7  }
0x10: {  	[smem:$0x3FB4] =	sst s8  }
0x11: {  	[smem:$0x3FB5] =	sst s9;
	s0 =	simm.s32 @!p0 $0x0  }
0x12: {  	s1 =	sld [smem:$0x3F9B];
	s0 =	simm.s32 @p0 $0x1  }
0x13: {  	[smem:$0x3FB6] =	sst s0;
	s0 =	simm.s32 @!p1 $0x0  }
0x14: {  	s2 =	sld [smem:$0x3F9A];
	s0 =	simm.s32 @p1 $0x1  }
0x15: {  	[smem:$0x3FB7] =	sst s0;
	s0 =	simm.s32 @!p2 $0x0  }
0x16: {  	s3 =	sld [smem:$0x3FDB];
	s0 =	simm.s32 @p2 $0x1  }
0x17: {  	s4 =	simm.s32 $0x1BF5;
	[smem:$0x3FB9] =	sst s0  }
0x18: {  	s0 =	sld [smem:$0x3F9C];
	_ =	swait.ge [sflag:s4], $0x0  }
0x19: {  	s7 =	sld [smem:$0x3F9D]  }
0x1a: {  	s8 =	sadd.s32 $0xFFFFE003, lr  }
0x1b: {  	s9 =	sadd.s32 $0xFFFFFEF7, lr;
	s5 =	simm.s32 $0xFFFFFFFF;
	p2 =	slt.u32 s8, $0xFFFFF086  }
0x1c: {  	p1 =	slt.u32 s9, $0xF7A;
	s5 =	simm.s32 @!p2 $0x0  }
0x1d: {  	s5 =	simm.s32 @p1 $0x1;
	p0 =	seq.s32 s7, s2  }
0x1e: {  	s7 =	smul.u32 @!p0 $0xF7A, s2;
	p2 =	seq.s32 @!p0 s5, $0x0  }
0x1f: {  	s9 =	smul.u32 $0xF7A, s1;
	s8 =	simm.s32 @!p0 $0x1BF5;
	p2 =	por !p2, p0  }
0x20: {  	[sflag:s8] =	ssyncset.s32 @!p0 $0xFFFFF086;
	s6 =	sadd.s32 @!p0 s3, s7;
	s7 =	simm.s32 @!p0 $0x108  }
0x21: {  	s3 =	sadd.s32 s3, s9;
	s6 =	sadd.s32 @!p0 $0x88, s6;
	s7 =	simm.s32 @p2 $0x1082  }
0x22: {  	[simem:s7], [sflag:s8] =	dma.local @!p0 [hbm:s6], $0xF7A  }
0x23: {  	s9 =	sor.u32 $0xD0000000, s2;
	s6 =	simm.s32 $0x108;
	_ =	swait.ge @!p0 [sflag:s8], $0x0  }
0x24: {  	s3 =	sadd.s32 $0x88, s3;
	s6 =	simm.s32 @!p1 $0x1082;
	[sflag:s4] =	ssyncset.s32 $0xFFFFF086  }
0x25: {  	[simem:s6], [sflag:s4] =	dma.local [hbm:s3], $0xF7A  }
0x26: {  	[smem:$0x3F9D] =	sst s1;
	(tag) =	ssettag s2;
	_ =	strace s9  }
0x27: {  	s1 =	sld [smem:$0x3FAD]  }
0x28: {  	s2 =	sld [smem:$0x3FAE]  }
0x29: {  	s4 =	sld [smem:$0x3FB0]  }
0x2a: {  	p0 =	seq.s32 s5, $0x0;
	s5 =	sld [smem:$0x3FB1]  }
0x2b: {  	s6 =	sld [smem:$0x3FB2]  }
0x2c: {  	s7 =	sld [smem:$0x3FB3]  }
0x2d: {  	s3 =	simm.s32 $0x108;
	s8 =	sld [smem:$0x3FB4]  }
0x2e: {  	s3 =	simm.s32 @!p0 $0x1082;
	s9 =	sld [smem:$0x3FB5]  }
0x2f: {  	lr =	sadd.s32 s0, s3;
	s0 =	sld [smem:$0x3FAC]  }
0x30: {  	s3 =	sld [smem:$0x3FAF]  }
0x31: {  	[smem:$0x3FB8] =	sst s10  }
0x32: {  	s10 =	sld [smem:$0x3FB6];
	_ =	sdelay $0x3  }
0x33: {  	p0 =	seq.s32 s10, $0x1;
	s10 =	sld [smem:$0x3FB8];
	_ =	sdelay $0x3  }
0x34: {  	[smem:$0x3FB8] =	sst s10  }
0x35: {  	s10 =	sld [smem:$0x3FB7];
	_ =	sdelay $0x3  }
0x36: {  	p1 =	seq.s32 s10, $0x1;
	s10 =	sld [smem:$0x3FB8];
	_ =	sdelay $0x3  }
0x37: {  	[smem:$0x3FB8] =	sst s10  }
0x38: {  	s10 =	sld [smem:$0x3FB9]  }
0x39: {  	_ = 	snop;
	(pc) =	sbr.ind lr, $3  }
0x3a: {  	_ = 	snop  }
0x3b: {  	_ = 	snop  }
0x3c: {  	p2 =	seq.s32 s10, $0x1;
	s10 =	sld [smem:$0x3FB8]  }
0x3d: {  	_ =	shalt  }
0x3e: {  	_ =	shalt  }
0x3f: {  	_ =	shalt  }
0x40: {  	_ =	shalt  }
0x41: {  	_ =	shalt  }
0x42: {  	_ =	shalt  }
0x43: {  	_ =	shalt  }
0x44: {  	_ =	shalt  }
0x45: {  	_ =	shalt  }
0x46: {  	_ =	shalt  }
0x47: {  	_ =	shalt  }
0x48: {  	_ =	shalt  }
0x49: {  	_ =	shalt  }
0x4a: {  	_ =	shalt  }
0x4b: {  	_ =	shalt  }
0x4c: {  	_ =	shalt  }
0x4d: {  	_ =	shalt  }
0x4e: {  	_ =	shalt  }
0x4f: {  	_ =	shalt  }
0x50: {  	_ =	shalt  }
0x51: {  	_ =	shalt  }
0x52: {  	_ =	shalt  }
0x53: {  	_ =	shalt  }
0x54: {  	_ =	shalt  }
0x55: {  	_ =	shalt  }
0x56: {  	_ =	shalt  }
0x57: {  	_ =	shalt  }
0x58: {  	_ =	shalt  }
0x59: {  	_ =	shalt  }
0x5a: {  	_ =	shalt  }
0x5b: {  	_ =	shalt  }
0x5c: {  	_ =	shalt  }
0x5d: {  	_ =	shalt  }
0x5e: {  	_ =	shalt  }
0x5f: {  	_ =	shalt  }
0x60: {  	_ =	shalt  }
0x61: {  	_ =	shalt  }
0x62: {  	_ =	shalt  }
0x63: {  	_ =	shalt  }
0x64: {  	_ =	shalt  }
0x65: {  	_ =	shalt  }
0x66: {  	_ =	shalt  }
0x67: {  	_ =	shalt  }
0x68: {  	_ =	shalt  }
0x69: {  	_ =	shalt  }
0x6a: {  	_ =	shalt  }
0x6b: {  	_ =	shalt  }
0x6c: {  	_ =	shalt  }
0x6d: {  	_ =	shalt  }
0x6e: {  	_ =	shalt  }
0x6f: {  	_ =	shalt  }
0x70: {  	_ =	shalt  }
0x71: {  	_ =	shalt  }
0x72: {  	_ =	shalt  }
0x73: {  	_ =	shalt  }
0x74: {  	_ =	shalt  }
0x75: {  	_ =	shalt  }
0x76: {  	_ =	shalt  }
0x77: {  	_ =	shalt  }
0x78: {  	_ =	shalt  }
0x79: {  	_ =	shalt  }
0x7a: {  	_ =	shalt  }
0x7b: {  	_ =	shalt  }
0x7c: {  	_ =	shalt  }
0x7d: {  	_ =	shalt  }
0x7e: {  	_ =	shalt  }
0x7f: {  	_ =	shalt  }
0x80: {  	_ =	shalt  }
0x81: {  	_ =	shalt  }
0x82: {  	_ =	shalt  }
0x83: {  	_ =	shalt  }
0x84: {  	_ =	shalt  }
0x85: {  	_ =	shalt  }
0x86: {  	_ =	shalt  }
0x87: {  	_ =	shalt  }
.Lfunc_end0:
.L_simem_size_0:
called_computation_lowered:
.L_overlay_start_0:
0x88: {  	s0 =	sld [smem:$0x3FD9]  }
0x89: {  	s1 =	sld [smem:$0x3FFE];
	_ =	sdelay $0x3  }
0x8a: {  	s0 =	sadd.s32 s1, s0  }
0x8b: {  	[smem:$0x3FC4] =	sst s0  }
0x8c: {  	_ = 	snop  }
0x8d: {  	s0 =	sld [smem:$0x3FC9]  }
0x8e: {  	s16 =	sld [smem:$0x3FC8];
	(tm) =	ssettm $0x1  }
0x8f: {  	s2 =	sld [smem:$0x3FFB];
	_ =	sdelay $0x3  }
0x90: {  	_ =	strace s2  }
0x91: {  	s2 =	sld [smem:$0x3FFC];
	_ =	sdelay $0x3  }
0x92: {  	_ =	strace s2  }
0x93: {  	s2 =	sld [smem:$0x3FFD];
	_ =	sdelay $0x3  }
0x94: {  	_ =	strace s2  }
0x95: {  	_ =	strace $0x8FFFFFFF  }
0x96: {  	s17 =	sld [smem:$0x3FDB];
	_ =	sdelay $0x1  }
0x97: {  	s3 =	simm.s32 $_scs_section_size  }
0x98: {  	s4 =	simm.s32 $_size__tile_overlayer_lowered;
	s5 =	simm.s32 $_tile_overlayer_lowered  }
0x99: {  	s20 =	simm.s32 $0x1BFF;
	s19 =	sshll.u32 s5, $0x1;
	s2 =	sadd.s32 s3, s17  }
0x9a: {  	s6 =	simm.s32 $0x0;
	s18 =	sshll.u32 s4, $0x1;
	s4 =	sadd.s32 s19, s2  }
0x9b: {  	[timem:s6], [sflag:s20] =	dma.local [hbm:s4], s18  }
0x9c: {  	_ =	swait.ge [sflag:s20], s18  }
0x9d: {  	s3 =	ssub.s32 $0x0, s18;
	[sflag:s20] =	ssyncset.done $0x0  }
0x9e: {  	[sflag:s20] =	ssyncadd.s32 s3;
	_ =	sdelay $0x1  }
0x9f: {  	s21 =	simm.s32 $0x1B8B  }
0xa0: {  	_ =	swait.ge [sflag:s21], $0x1  }
0xa1: {  	[sflag:s21] =	ssyncset.done $0x0  }
0xa2: {  	s23 =	simm.s32 $0x1B8E;
	s22 =	sld [smem:$0x3FFE];
	[sflag:s21] =	ssyncadd.s32 $0xFFFFFFFF  }
0xa3: {  	s24 =	simm.s32 $execute0_lowered;
	[smem:$0x3FD2] =	sst s23  }
0xa4: {  	s4 =	sshll.u32 s24, $0x1;
	_ =	strace $0x80000046;
	[dreg:$0x1] =	wrdreg $0xFFFFFFFF  }
0xa5: {  	s25 =	simm.s32 $_size_execute0_lowered;
	s2 =	sadd.s32 s2, s4;
	[dreg:$0x0] =	wrdreg $0x0  }
0xa6: {  	s4 =	sshll.u32 s25, $0x1;
	[dreg:$0x2] =	wrdreg s2  }
0xa7: {  	[dreg:$0x3] =	wrdreg s4  }
0xa8: {  	[dreg:$0x4] =	wrdreg $0xC0  }
0xa9: {  	_ =	task [dreg:s6], $0x5FFFF  }
0xaa: {  	[dreg:$0x1] =	wrdreg $0xFFFFFFFF  }
0xab: {  	[dreg:$0x0] =	wrdreg $0x60  }
0xac: {  	[dreg:$0x2] =	wrdreg s16  }
0xad: {  	[dreg:$0x3] =	wrdreg s0  }
0xae: {  	[dreg:$0x4] =	wrdreg s22  }
0xaf: {  	[dreg:$0x5] =	wrdreg $0x9  }
0xb0: {  	_ =	task.clear_ibuf [dreg:s6], $0x6FFFF;
	_ =	strace $0x90000046  }
0xb1: {  	s26 =	simm.s32 $0x9;
	_ =	strace $0x80000048  }
0xb2: {  	_ =	swait.ge [sflag:s26], $0x1  }
0xb3: {  	[sflag:s26] =	ssyncadd.s32 $0xFFFFFFFF  }
0xb4: {  	_ =	strace $0x90000048  }
0xb5: {  	_ =	sfence  }
0xb6: {  	s28 =	sld [smem:$0x0];
	_ =	sdelay $0x1  }
0xb7: {  	s29 =	srdreg.scid  }
0xb8: {  	s30 =	sshll.u32 s29, $0xD;
	s31 =	sshrl.u32 s29, $0x2  }
0xb9: {  	s1 =	sand.u32 $0x1, s29;
	s2 =	sand.u32 $0x4000, s30;
	s0 =	sadd.s32 s31, s28  }
0xba: {  	s1 =	sor.u32 s2, s1;
	s0 =	sshll.u32 s0, $0x11  }
0xbb: {  	s0 =	sor.u32 s0, s1  }
0xbc: {  	s0 =	sadd.s32 $0x8F2B, s0  }
0xbd: {  	[sflag:s0] =	ssyncadd.remote.s32 $0x1  }
0xbe: {  	_ =	sfence.sel $0xFFFF  }
0xbf: {  	[dreg:$0x0] =	wrdreg $0xFFFFFFFF;
	(pc) =	sbr.abs _section_cstart, $3  }
0xc0: {  	[dreg:$0x1] =	wrdreg $0xFFFFFFFF  }
0xc1: {  	_ =	task.clear_ibuf [dreg:s6], $0x2FFFF;
	_ =	strace $0x9FFFFFFF  }
0xc2: {  	(tm) =	ssettm $0x7FFFFFFF  }
0xc3: {  	_ =	shalt  }
tec
execute0_lowered:
.L_overlay_start_1:
0x0: {  	(tag) =	ssettag $0x1  }
0x1: {  	s1 =	rddreg [dreg:$0x0]  }
0x2: {  	s2 =	rddreg [dreg:$0x1]  }
0x3: {  	s3 =	rddreg [dreg:$0x2]  }
0x4: {  	s0 =	rddreg [dreg:$0x3];
	s4 =	simm.s32 $0x0;
	s5 =	stileid.u32  }
0x5: {  	[smem:$0x7FF] =	sst s4;
	s6 =	sshll.u32 s5, $0x3  }
0x6: {  	s24 =	simm.s32 $0x2;
	_ =	strace $0x80000047;
	s1 =	sadd.s32 s1, s6  }
0x7: {  	[tilespmem:s4], [sflag:$0x2] =	stream.linear.gather [hbm4b:s1+s4], $0x40, $0x38;
	[tilespmem:$0x2100] =	vst v63  }
0x8: {  	_ =	swait.ge [sflag:s24], $0x40  }
0x9: {  	[sflag:s24] =	ssyncset.done $0x0  }
0xa: {  	s25 =	sshll.u32 s5, $0x6;
	[sflag:s24] =	ssyncadd.s32 $0xFFFFFFC0  }
0xb: {  	v0 =	vmov s25;
	s7 =	sor.u32 $0x10, s25;
	v1 =	vld [tilespmem:$0x0]  }
0xc: {  	s6 =	sor.u32 $0x30, s25;
	v0 =	vmul.u32 $0x3E8, v0;
	v2 =	vmov s7;
	v3 =	vld [tilespmem:$0x10]  }
0xd: {  	v6 =	vlaneseq.u32;
	s26 =	sor.u32 $0x20, s25;
	v7 =	vmov s6;
	v2 =	vmul.u32 $0x3E8, v2;
	v8 =	vld [tilespmem:$0x30]  }
0xe: {  	v4 =	vmov s26;
	v7 =	vmul.u32 $0x3E8, v7;
	v0 =	vbroadcast v0, $0x0;
	v5 =	vld [tilespmem:$0x20]  }
0xf: {  	v6 =	vmul.u32 $0x3E8, v6;
	v4 =	vmul.u32 $0x3E8, v4;
	v2 =	vbroadcast v2, $0x0  }
0x10: {  	v59 =	vbroadcast v7, $0x0;
	v0 =	vadd.s32 v1, v0  }
0x11: {  	v58 =	vbroadcast v4, $0x0;
	v2 =	vadd.s32 v3, v2;
	v0 =	vadd.s32 v6, v0  }
0x12: {  	v62 =	vadd.s32 v8, v59;
	v61 =	vadd.s32 v6, v2;
	[tilespmem:$0x80] =	vst v0  }
0x13: {  	v60 =	vadd.s32 v5, v58;
	v63 =	vadd.s32 v6, v62;
	[tilespmem:$0x90] =	vst v61  }
0x14: {  	s28 =	simm.s32 $0x40;
	v0 =	vadd.s32 v6, v60;
	[tilespmem:$0xB0] =	vst v63  }
0x15: {  	s29 =	simm.s32 $0x80;
	s8 =	simm.s32 $0x100;
	s30 =	simm.s32 $0x1;
	[tilespmem:$0xA0] =	vst v0  }
0x16: {  	[tilespmem:s8], [sflag:$0x1] =	stream.indirect.gather [hbm4b:s2+s28], $0x80, s29, s28, $0xb8;
	[tilespmem:$0x2100] =	vst v63  }
0x17: {  	s31 =	sshll.u32 s5, $0xA;
	_ =	swait.ge [sflag:s30], $0x2000  }
0x18: {  	s3 =	sadd.s32 s31, s3;
	[sflag:s30] =	ssyncset.done $0x0  }
0x19: {  	s3 =	sadd.s32 $0xA00, s3;
	[sflag:s30] =	ssyncadd.s32 $0xFFFFE000  }
0x1a: {  	[hbm4b:s3+s4] =	stream.linear.scatter [tilespmem:s8], [sflag:$0x2], $0x2000, $0x38;
	[tilespmem:$0x2100] =	vst v63  }
0x1b: {  	_ =	swait.ge [sflag:s24], $0x2000  }
0x1c: {  	[sflag:s24] =	ssyncset.done $0x0  }
0x1d: {  	[sflag:s24] =	ssyncadd.s32 $0xFFFFE000  }
0x1e: {  	_ =	sfence.sel $0x180000  }
0x1f: {  	[bflag:$0x0] =	sbarrier.arrive $0xFFFF  }
0x20: {  	p0 =	sne.s32 s5, $0x0;
	_ =	strace $0x90000047  }
0x21: {  	s0 =	sadd.s32 @!p0 $0x100000, s0;
	[bflag:$0x2] =	sbarrier.arrive $0xFFFF  }
0x22: {  	[sflag:s0] =	ssyncadd.tile.s32 @!p0 $0x1;
	_ =	shalt  }
.Lfunc_end2:
_tile_overlayer_lowered:
.L_overlay_start_2:
0x23: {  	(tag) =	ssettag $0x2  }
0x24: {  	s0 =	rddreg [dreg:$0x0];
	s2 =	stileid.u32  }
0x25: {  	s1 =	rddreg [dreg:$0x1];
	p0 =	sne.s32 s2, $0x0  }
0x26: {  	s3 =	rddreg [dreg:$0x2];
	[bflag:$0x3] =	sbarrier.arrive $0xFFFF;
	s2 =	simm.s32 @!p0 $0x1C02  }
0x27: {  	[timem:s3], [sflag:s2] =	dma.local @!p0 [hbm:s0], s1  }
0x28: {  	s0 =	simm.s32 @!p0 $0x2  }
0x29: {  	_ =	swait.ge @!p0 [sflag:s0], s1  }
0x2a: {  	s1 =	ssub.s32 @!p0 $0x0, s1;
	[sflag:s0] =	ssyncset.done @!p0 $0x0  }
0x2b: {  	[sflag:s0] =	ssyncadd.s32 @!p0 s1  }
0x2c: {  	[bflag:$0x3] =	sbarrier.arrive $0xFFFF  }
0x2d: {  	_ =	shalt  }

</sc_bundles>
